<compile_context>
chip_gen: v7x
topology: tpu7x:2x2x1
jax: 0.10.2.dev20260603
libtpu: 0.0.44.dev20260713+nightly
codegen_flags: <defaults>
</compile_context>

<pallas_src>
import functools

import jax
import jax.numpy as jnp
from jax import lax
from jax.experimental import pallas as pl
from jax.experimental.pallas import tpu as pltpu
from jax.experimental.pallas import tpu_sc as plsc

B, S = 4, 2048
D = 128
EPS = 1e-07

NC, NS = 2, 16
NW = NC * NS
NT = B * S
TPW = NT // NW
CHUNK = 128
NCH = TPW // CHUNK


def _gather_body(ids_hbm, wt_hbm, out_hbm, idx_v, rows_v, sem_g, sem_o):
    c = lax.axis_index("c")
    s = lax.axis_index("s")
    wid = s * NC + c
    base = wid * TPW
    b = wid // (S // TPW)
    pbase = lax.rem(wid, S // TPW) * TPW

    gathers = []
    for j in range(NCH):
        pltpu.sync_copy(ids_hbm.at[b, pl.ds(pbase + j * CHUNK, CHUNK)],
                        idx_v.at[pl.ds(j * CHUNK, CHUNK)])
        gathers.append(
            pltpu.async_copy(wt_hbm.at[idx_v.at[pl.ds(j * CHUNK, CHUNK)]],
                             rows_v.at[pl.ds(j * CHUNK, CHUNK)], sem_g.at[j]))
    outs = []
    for j in range(NCH):
        gathers[j].wait()
        outs.append(
            pltpu.async_copy(rows_v.at[pl.ds(j * CHUNK, CHUNK)],
                             out_hbm.at[b, pl.ds(pbase + j * CHUNK, CHUNK)],
                             sem_o))
    for cp in outs:
        cp.wait()


def _sc_gather(ids, word_table):
    run = functools.partial(
        pl.kernel,
        out_type=jax.ShapeDtypeStruct((B, S, D), jnp.float32),
        mesh=plsc.VectorSubcoreMesh(core_axis_name="c", subcore_axis_name="s"),
        scratch_types=[
            pltpu.VMEM((TPW,), jnp.int32),
            pltpu.VMEM((TPW, D), jnp.float32),
            pltpu.SemaphoreType.DMA((NCH,)),
            pltpu.SemaphoreType.DMA,
        ],
    )(_gather_body)
    return run(ids, word_table)


BPB = 2


def _ln_body(rows_ref, pos_ref, tt_ref, g_ref, b_ref, o_ref):
    x = rows_ref[...] + pos_ref[...] + tt_ref[0:1, 0:1, :]
    mean = jnp.mean(x, axis=-1, keepdims=True)
    xc = x - mean
    var = jnp.mean(xc * xc, axis=-1, keepdims=True)
    o_ref[...] = xc * lax.rsqrt(var + EPS) * g_ref[0:1, 0:1, :] + b_ref[0:1, 0:1, :]


def _tc_layernorm(rows, pos_table, tt_table, gamma, beta):
    return pl.pallas_call(
        _ln_body,
        grid=(B // BPB,),
        in_specs=[
            pl.BlockSpec((BPB, S, D), lambda i: (i, 0, 0)),
            pl.BlockSpec((1, S, D), lambda i: (0, 0, 0)),
            pl.BlockSpec((1, 2, D), lambda i: (0, 0, 0)),
            pl.BlockSpec((1, 1, D), lambda i: (0, 0, 0)),
            pl.BlockSpec((1, 1, D), lambda i: (0, 0, 0)),
        ],
        out_specs=pl.BlockSpec((BPB, S, D), lambda i: (i, 0, 0)),
        out_shape=jax.ShapeDtypeStruct((B, S, D), jnp.float32),
    )(rows, pos_table.reshape(1, S, D),
      tt_table.reshape(1, 2, D), gamma, beta)


@jax.jit
def kernel(input_ids, word_table, pos_table, tt_table, gamma, beta):
    ids = input_ids.astype(jnp.int32)
    rows = _sc_gather(ids, word_table)
    return _tc_layernorm(rows, pos_table, tt_table,
                         gamma.reshape(1, 1, D), beta.reshape(1, 1, D))

# --- scband reference (transcript-rebuilt; emitter-appended) ---
"""Pipeline reference for scband-bert-embeddings-17523466567843 (READ-ONLY COPY).

The authoritative reference and input builder live on the scoring server;
editing this copy changes nothing except your own understanding.
"""

import jax, jax.numpy as jnp
import numpy as np

B, S = 4, 2048
VOCAB = 1000000
TYPE_VOCAB = 2
D = 128
MAX_POS = 2048
EPS = 1e-07


def setup_inputs(seed: int = 0) -> dict:
    key = jax.random.key(seed)
    k1, k2, k3, k4 = jax.random.split(key, 4)
    input_ids = jax.random.randint(k1, (B, S), 0, VOCAB)
    word_table = jax.random.normal(k2, (VOCAB, D), dtype=jnp.float32) * 0.02
    # padding_idx=0 -> row 0 initialized to zeros, as in nn.Embedding(padding_idx=0)
    word_table = word_table.at[0].set(0.0)
    pos_table = jax.random.normal(k3, (MAX_POS, D), dtype=jnp.float32) * 0.02
    tt_table = jax.random.normal(k4, (TYPE_VOCAB, D), dtype=jnp.float32) * 0.02
    gamma = jnp.ones((D,), dtype=jnp.float32)
    beta = jnp.zeros((D,), dtype=jnp.float32)
    return {
        "input_ids": input_ids,
        "word_table": word_table,
        "pos_table": pos_table,
        "tt_table": tt_table,
        "gamma": gamma,
        "beta": beta,
    }


def _layer_norm(x, gamma, beta, eps):
    mean = jnp.mean(x, axis=-1, keepdims=True)
    var = jnp.mean(jnp.square(x - mean), axis=-1, keepdims=True)
    return (x - mean) / jnp.sqrt(var + eps) * gamma + beta


def reference(input_ids, word_table, pos_table, tt_table, gamma, beta):
    seq_length = input_ids.shape[1]
    # position_ids = arange(seq_len) broadcast to input_ids shape
    position_ids = jnp.broadcast_to(jnp.arange(seq_length, dtype=input_ids.dtype)[None, :], input_ids.shape)
    token_type_ids = jnp.zeros_like(input_ids)
    words_embeddings = jnp.take(word_table, input_ids, axis=0)
    position_embeddings = jnp.take(pos_table, position_ids, axis=0)
    token_type_embeddings = jnp.take(tt_table, token_type_ids, axis=0)
    embeddings = words_embeddings + token_type_embeddings  # type_vocab_size > 0
    embeddings = embeddings + position_embeddings  # position_biased_input=True
    # embedding_size == hidden_size -> no embed_proj
    # MaskedLayerNorm with mask=None -> plain LayerNorm; dropout in eval mode -> identity
    embeddings = _layer_norm(embeddings, gamma, beta, EPS)
    return embeddings

if __name__ == "__main__":
    import jax
    _d = setup_inputs()
    print(jax.jit(kernel)(*tuple(_d.values())))

</pallas_src>

<mosaic_0001>
#map = affine_map<(d0, d1) -> (0, 0)>
#map1 = affine_map<(d0, d1) -> (0, 0, 0)>
module attributes {stable_mosaic.version = 14 : i64} {
  func.func @_gather_body(%arg0: i32, %arg1: i32, %arg2: memref<4x2048xi32, #tpu.memory_space<hbm>>, %arg3: memref<1000000x128xf32, #tpu.memory_space<hbm>>, %arg4: memref<4x2048x128xf32, #tpu.memory_space<hbm>>, %arg5: memref<256xi32, #tpu.memory_space<vmem>>, %arg6: memref<256x128xf32, #tpu.memory_space<vmem>>, %arg7: memref<2x!tpu.dma_semaphore, #tpu.memory_space<semaphore_mem>>, %arg8: memref<!tpu.dma_semaphore, #tpu.memory_space<semaphore_mem>>) attributes {dimension_semantics = [#tpu.dimension_semantics<core_parallel>, #tpu.dimension_semantics<subcore_parallel>], iteration_bounds = array<i64: 2, 16>, scalar_prefetch = 0 : i64, scratch_operands = 4 : i64, tpu.core_type = #tpu.core_type<sc_vector_subcore>, window_params = [{transform_indices = #map}, {transform_indices = #map}, {transform_indices = #map1}]} {
    %mul3A = arith.constant 2 : i32
    %mul3A_0 = arith.muli %arg1, %mul3A : i32
    %add3A = arith.addi %mul3A_0, %arg0 : i32
    %mul3A_1 = arith.constant 256 : i32
    %mul3A_2 = arith.muli %add3A, %mul3A_1 : i32
    %jit3A = arith.constant 8 : i32
    %div3A = arith.divsi %add3A, %jit3A : i32
    %sign3A = arith.constant 0 : i32
    %sign3A_3 = arith.cmpi sgt, %add3A, %sign3A : i32
    %sign3A_4 = arith.extui %sign3A_3 : i1 to i32
    %sign3A_5 = arith.constant 0 : i32
    %sign3A_6 = arith.cmpi slt, %add3A, %sign3A_5 : i32
    %sign3A_7 = arith.extui %sign3A_6 : i1 to i32
    %sign3A_8 = arith.subi %sign3A_4, %sign3A_7 : i32
    %sign3A_9 = arith.constant 0 : i32
    %sign3A_10 = arith.cmpi sgt, %jit3A, %sign3A_9 : i32
    %sign3A_11 = arith.extui %sign3A_10 : i1 to i32
    %sign3A_12 = arith.constant 0 : i32
    %sign3A_13 = arith.cmpi slt, %jit3A, %sign3A_12 : i32
    %sign3A_14 = arith.extui %sign3A_13 : i1 to i32
    %sign3A_15 = arith.subi %sign3A_11, %sign3A_14 : i32
    %ne3A = arith.cmpi ne, %sign3A_8, %sign3A_15 : i32
    %rem3A = arith.remsi %add3A, %jit3A : i32
    %ne3A_16 = arith.constant 0 : i32
    %ne3A_17 = arith.cmpi ne, %rem3A, %ne3A_16 : i32
    %and3A = arith.andi %ne3A, %ne3A_17 : i1
    %sub3A = arith.constant 1 : i32
    %sub3A_18 = arith.subi %div3A, %sub3A : i32
    %select_n3A = arith.select %and3A, %sub3A_18, %div3A : i32
    %rem3A_19 = arith.constant 8 : i32
    %rem3A_20 = arith.remsi %add3A, %rem3A_19 : i32
    %mul3A_21 = arith.constant 256 : i32
    %mul3A_22 = arith.muli %rem3A_20, %mul3A_21 : i32
    %add3A_23 = arith.constant 0 : i32
    %add3A_24 = arith.addi %mul3A_22, %add3A_23 : i32
    "tpu.region"() ({
      %run_scoped3A = tpu.sem_alloc : memref<!tpu.dma_semaphore, #tpu.memory_space<semaphore_mem>>
      %dma_start3A_121 = arith.constant 0 : i32
      %dma_start3A_122 = tpu.memref_slice %arg5[%dma_start3A_121] : memref<256xi32, #tpu.memory_space<vmem>> -> memref<128xi32, #tpu.memory_space<vmem>>
      %dma_start3A_123 = tpu.memref_slice %arg2[%select_n3A, %add3A_24] : memref<4x2048xi32, #tpu.memory_space<hbm>> -> memref<1x128xi32, #tpu.memory_space<hbm>>
      %dma_start3A_124 = tpu.memref_squeeze %dma_start3A_123 : memref<1x128xi32, #tpu.memory_space<hbm>> -> memref<128xi32, #tpu.memory_space<hbm>>
      %dma_start3A_125 = arith.constant 0 : i32
      %dma_start3A_126 = tpu.memref_slice %arg5[%dma_start3A_125] : memref<256xi32, #tpu.memory_space<vmem>> -> memref<128xi32, #tpu.memory_space<vmem>>
      %dma_start3A_127 = tpu.memref_slice %arg2[%select_n3A, %add3A_24] : memref<4x2048xi32, #tpu.memory_space<hbm>> -> memref<1x128xi32, #tpu.memory_space<hbm>>
      %dma_start3A_128 = tpu.memref_squeeze %dma_start3A_127 : memref<1x128xi32, #tpu.memory_space<hbm>> -> memref<128xi32, #tpu.memory_space<hbm>>
      tpu.enqueue_dma source(%dma_start3A_128 : memref<128xi32, #tpu.memory_space<hbm>>) target(%dma_start3A_126 : memref<128xi32, #tpu.memory_space<vmem>>) target_semaphore(%run_scoped3A : memref<!tpu.dma_semaphore, #tpu.memory_space<semaphore_mem>>)
      %dma_wait3A_129 = arith.constant 0 : i32
      %dma_wait3A_130 = tpu.memref_slice %arg5[%dma_wait3A_129] : memref<256xi32, #tpu.memory_space<vmem>> -> memref<128xi32, #tpu.memory_space<vmem>>
      %dma_wait3A_131 = tpu.memref_slice %arg2[%select_n3A, %add3A_24] : memref<4x2048xi32, #tpu.memory_space<hbm>> -> memref<1x128xi32, #tpu.memory_space<hbm>>
      %dma_wait3A_132 = tpu.memref_squeeze %dma_wait3A_131 : memref<1x128xi32, #tpu.memory_space<hbm>> -> memref<128xi32, #tpu.memory_space<hbm>>
      %dma_wait3A_133 = arith.constant 0 : i32
      %dma_wait3A_134 = tpu.memref_slice %arg5[%dma_wait3A_133] : memref<256xi32, #tpu.memory_space<vmem>> -> memref<128xi32, #tpu.memory_space<vmem>>
      %dma_wait3A_135 = tpu.memref_slice %arg2[%select_n3A, %add3A_24] : memref<4x2048xi32, #tpu.memory_space<hbm>> -> memref<1x128xi32, #tpu.memory_space<hbm>>
      %dma_wait3A_136 = tpu.memref_squeeze %dma_wait3A_135 : memref<1x128xi32, #tpu.memory_space<hbm>> -> memref<128xi32, #tpu.memory_space<hbm>>
      tpu.wait_dma2 semaphore(%run_scoped3A : memref<!tpu.dma_semaphore, #tpu.memory_space<semaphore_mem>>) src(%dma_wait3A_136 : memref<128xi32, #tpu.memory_space<hbm>>) dst(%dma_wait3A_134 : memref<128xi32, #tpu.memory_space<vmem>>)
      tpu.yield
    }) : () -> ()
    %dma_start3A = arith.constant 0 : i32
    %dma_start3A_25 = arith.constant 0 : i32
    %dma_start3A_26 = arith.constant 0 : i32
    %dma_start3A_27 = tpu.memref_slice %arg6[%dma_start3A_25, %dma_start3A_26] : memref<256x128xf32, #tpu.memory_space<vmem>> -> memref<128x128xf32, #tpu.memory_space<vmem>>
    %dma_start3A_28 = arith.constant 0 : i32
    %dma_start3A_29 = tpu.memref_slice %arg5[%dma_start3A_28] : memref<256xi32, #tpu.memory_space<vmem>> -> memref<128xi32, #tpu.memory_space<vmem>>
    %dma_start3A_30 = arith.constant 0 : i32
    %dma_start3A_31 = arith.constant 0 : i32
    %dma_start3A_32 = tpu.memref_slice %arg3[%dma_start3A_30, %dma_start3A_31] : memref<1000000x128xf32, #tpu.memory_space<hbm>> -> memref<1000000x128xf32, #tpu.memory_space<hbm>>
    %dma_start3A_33 = tpu.memref_slice %arg7[%dma_start3A] : memref<2x!tpu.dma_semaphore, #tpu.memory_space<semaphore_mem>> -> memref<1x!tpu.dma_semaphore, #tpu.memory_space<semaphore_mem>>
    %dma_start3A_34 = tpu.memref_squeeze %dma_start3A_33 : memref<1x!tpu.dma_semaphore, #tpu.memory_space<semaphore_mem>> -> memref<!tpu.dma_semaphore, #tpu.memory_space<semaphore_mem>>
    tpu.enqueue_indirect_dma source(%dma_start3A_32 : memref<1000000x128xf32, #tpu.memory_space<hbm>>) target(%dma_start3A_27 : memref<128x128xf32, #tpu.memory_space<vmem>>) offsets(%dma_start3A_29 : memref<128xi32, #tpu.memory_space<vmem>>) semaphore(%dma_start3A_34 : memref<!tpu.dma_semaphore, #tpu.memory_space<semaphore_mem>>)
    %add3A_35 = arith.constant 128 : i32
    %add3A_36 = arith.addi %mul3A_22, %add3A_35 : i32
    "tpu.region"() ({
      %run_scoped3A = tpu.sem_alloc : memref<!tpu.dma_semaphore, #tpu.memory_space<semaphore_mem>>
      %dma_start3A_121 = arith.constant 128 : i32
      %dma_start3A_122 = tpu.memref_slice %arg5[%dma_start3A_121] : memref<256xi32, #tpu.memory_space<vmem>> -> memref<128xi32, #tpu.memory_space<vmem>>
      %dma_start3A_123 = tpu.memref_slice %arg2[%select_n3A, %add3A_36] : memref<4x2048xi32, #tpu.memory_space<hbm>> -> memref<1x128xi32, #tpu.memory_space<hbm>>
      %dma_start3A_124 = tpu.memref_squeeze %dma_start3A_123 : memref<1x128xi32, #tpu.memory_space<hbm>> -> memref<128xi32, #tpu.memory_space<hbm>>
      %dma_start3A_125 = arith.constant 128 : i32
      %dma_start3A_126 = tpu.memref_slice %arg5[%dma_start3A_125] : memref<256xi32, #tpu.memory_space<vmem>> -> memref<128xi32, #tpu.memory_space<vmem>>
      %dma_start3A_127 = tpu.memref_slice %arg2[%select_n3A, %add3A_36] : memref<4x2048xi32, #tpu.memory_space<hbm>> -> memref<1x128xi32, #tpu.memory_space<hbm>>
      %dma_start3A_128 = tpu.memref_squeeze %dma_start3A_127 : memref<1x128xi32, #tpu.memory_space<hbm>> -> memref<128xi32, #tpu.memory_space<hbm>>
      tpu.enqueue_dma source(%dma_start3A_128 : memref<128xi32, #tpu.memory_space<hbm>>) target(%dma_start3A_126 : memref<128xi32, #tpu.memory_space<vmem>>) target_semaphore(%run_scoped3A : memref<!tpu.dma_semaphore, #tpu.memory_space<semaphore_mem>>)
      %dma_wait3A_129 = arith.constant 128 : i32
      %dma_wait3A_130 = tpu.memref_slice %arg5[%dma_wait3A_129] : memref<256xi32, #tpu.memory_space<vmem>> -> memref<128xi32, #tpu.memory_space<vmem>>
      %dma_wait3A_131 = tpu.memref_slice %arg2[%select_n3A, %add3A_36] : memref<4x2048xi32, #tpu.memory_space<hbm>> -> memref<1x128xi32, #tpu.memory_space<hbm>>
      %dma_wait3A_132 = tpu.memref_squeeze %dma_wait3A_131 : memref<1x128xi32, #tpu.memory_space<hbm>> -> memref<128xi32, #tpu.memory_space<hbm>>
      %dma_wait3A_133 = arith.constant 128 : i32
      %dma_wait3A_134 = tpu.memref_slice %arg5[%dma_wait3A_133] : memref<256xi32, #tpu.memory_space<vmem>> -> memref<128xi32, #tpu.memory_space<vmem>>
      %dma_wait3A_135 = tpu.memref_slice %arg2[%select_n3A, %add3A_36] : memref<4x2048xi32, #tpu.memory_space<hbm>> -> memref<1x128xi32, #tpu.memory_space<hbm>>
      %dma_wait3A_136 = tpu.memref_squeeze %dma_wait3A_135 : memref<1x128xi32, #tpu.memory_space<hbm>> -> memref<128xi32, #tpu.memory_space<hbm>>
      tpu.wait_dma2 semaphore(%run_scoped3A : memref<!tpu.dma_semaphore, #tpu.memory_space<semaphore_mem>>) src(%dma_wait3A_136 : memref<128xi32, #tpu.memory_space<hbm>>) dst(%dma_wait3A_134 : memref<128xi32, #tpu.memory_space<vmem>>)
      tpu.yield
    }) : () -> ()
    %dma_start3A_37 = arith.constant 1 : i32
    %dma_start3A_38 = arith.constant 128 : i32
    %dma_start3A_39 = arith.constant 0 : i32
    %dma_start3A_40 = tpu.memref_slice %arg6[%dma_start3A_38, %dma_start3A_39] : memref<256x128xf32, #tpu.memory_space<vmem>> -> memref<128x128xf32, #tpu.memory_space<vmem>>
    %dma_start3A_41 = arith.constant 128 : i32
    %dma_start3A_42 = tpu.memref_slice %arg5[%dma_start3A_41] : memref<256xi32, #tpu.memory_space<vmem>> -> memref<128xi32, #tpu.memory_space<vmem>>
    %dma_start3A_43 = arith.constant 0 : i32
    %dma_start3A_44 = arith.constant 0 : i32
    %dma_start3A_45 = tpu.memref_slice %arg3[%dma_start3A_43, %dma_start3A_44] : memref<1000000x128xf32, #tpu.memory_space<hbm>> -> memref<1000000x128xf32, #tpu.memory_space<hbm>>
    %dma_start3A_46 = tpu.memref_slice %arg7[%dma_start3A_37] : memref<2x!tpu.dma_semaphore, #tpu.memory_space<semaphore_mem>> -> memref<1x!tpu.dma_semaphore, #tpu.memory_space<semaphore_mem>>
    %dma_start3A_47 = tpu.memref_squeeze %dma_start3A_46 : memref<1x!tpu.dma_semaphore, #tpu.memory_space<semaphore_mem>> -> memref<!tpu.dma_semaphore, #tpu.memory_space<semaphore_mem>>
    tpu.enqueue_indirect_dma source(%dma_start3A_45 : memref<1000000x128xf32, #tpu.memory_space<hbm>>) target(%dma_start3A_40 : memref<128x128xf32, #tpu.memory_space<vmem>>) offsets(%dma_start3A_42 : memref<128xi32, #tpu.memory_space<vmem>>) semaphore(%dma_start3A_47 : memref<!tpu.dma_semaphore, #tpu.memory_space<semaphore_mem>>)
    %dma_wait3A = arith.constant 0 : i32
    %dma_wait3A_48 = arith.constant 0 : i32
    %dma_wait3A_49 = arith.constant 0 : i32
    %dma_wait3A_50 = tpu.memref_slice %arg6[%dma_wait3A_48, %dma_wait3A_49] : memref<256x128xf32, #tpu.memory_space<vmem>> -> memref<128x128xf32, #tpu.memory_space<vmem>>
    %dma_wait3A_51 = arith.constant 0 : i32
    %dma_wait3A_52 = tpu.memref_slice %arg5[%dma_wait3A_51] : memref<256xi32, #tpu.memory_space<vmem>> -> memref<128xi32, #tpu.memory_space<vmem>>
    %dma_wait3A_53 = arith.constant 0 : i32
    %dma_wait3A_54 = arith.constant 0 : i32
    %dma_wait3A_55 = tpu.memref_slice %arg3[%dma_wait3A_53, %dma_wait3A_54] : memref<1000000x128xf32, #tpu.memory_space<hbm>> -> memref<1000000x128xf32, #tpu.memory_space<hbm>>
    %dma_wait3A_56 = tpu.memref_slice %arg7[%dma_wait3A] : memref<2x!tpu.dma_semaphore, #tpu.memory_space<semaphore_mem>> -> memref<1x!tpu.dma_semaphore, #tpu.memory_space<semaphore_mem>>
    %dma_wait3A_57 = tpu.memref_squeeze %dma_wait3A_56 : memref<1x!tpu.dma_semaphore, #tpu.memory_space<semaphore_mem>> -> memref<!tpu.dma_semaphore, #tpu.memory_space<semaphore_mem>>
    tpu.wait_indirect_dma semaphore(%dma_wait3A_57 : memref<!tpu.dma_semaphore, #tpu.memory_space<semaphore_mem>>) src(%dma_wait3A_55 : memref<1000000x128xf32, #tpu.memory_space<hbm>>) dst(%dma_wait3A_50 : memref<128x128xf32, #tpu.memory_space<vmem>>)
    %add3A_58 = arith.constant 0 : i32
    %add3A_59 = arith.addi %mul3A_22, %add3A_58 : i32
    %dma_start3A_60 = arith.constant 0 : i32
    %dma_start3A_61 = arith.constant 0 : i32
    %dma_start3A_62 = tpu.memref_slice %arg6[%dma_start3A_60, %dma_start3A_61] : memref<256x128xf32, #tpu.memory_space<vmem>> -> memref<128x128xf32, #tpu.memory_space<vmem>>
    %dma_start3A_63 = arith.constant 0 : i32
    %dma_start3A_64 = tpu.memref_slice %arg4[%select_n3A, %add3A_59, %dma_start3A_63] : memref<4x2048x128xf32, #tpu.memory_space<hbm>> -> memref<1x128x128xf32, #tpu.memory_space<hbm>>
    %dma_start3A_65 = tpu.memref_squeeze %dma_start3A_64 : memref<1x128x128xf32, #tpu.memory_space<hbm>> -> memref<128x128xf32, #tpu.memory_space<hbm>>
    %dma_start3A_66 = arith.constant 0 : i32
    %dma_start3A_67 = tpu.memref_slice %arg4[%select_n3A, %add3A_59, %dma_start3A_66] : memref<4x2048x128xf32, #tpu.memory_space<hbm>> -> memref<1x128x128xf32, #tpu.memory_space<hbm>>
    %dma_start3A_68 = tpu.memref_squeeze %dma_start3A_67 : memref<1x128x128xf32, #tpu.memory_space<hbm>> -> memref<128x128xf32, #tpu.memory_space<hbm>>
    %dma_start3A_69 = arith.constant 0 : i32
    %dma_start3A_70 = arith.constant 0 : i32
    %dma_start3A_71 = tpu.memref_slice %arg6[%dma_start3A_69, %dma_start3A_70] : memref<256x128xf32, #tpu.memory_space<vmem>> -> memref<128x128xf32, #tpu.memory_space<vmem>>
    tpu.enqueue_dma source(%dma_start3A_71 : memref<128x128xf32, #tpu.memory_space<vmem>>) target(%dma_start3A_68 : memref<128x128xf32, #tpu.memory_space<hbm>>) target_semaphore(%arg8 : memref<!tpu.dma_semaphore, #tpu.memory_space<semaphore_mem>>)
    %dma_wait3A_72 = arith.constant 1 : i32
    %dma_wait3A_73 = arith.constant 128 : i32
    %dma_wait3A_74 = arith.constant 0 : i32
    %dma_wait3A_75 = tpu.memref_slice %arg6[%dma_wait3A_73, %dma_wait3A_74] : memref<256x128xf32, #tpu.memory_space<vmem>> -> memref<128x128xf32, #tpu.memory_space<vmem>>
    %dma_wait3A_76 = arith.constant 128 : i32
    %dma_wait3A_77 = tpu.memref_slice %arg5[%dma_wait3A_76] : memref<256xi32, #tpu.memory_space<vmem>> -> memref<128xi32, #tpu.memory_space<vmem>>
    %dma_wait3A_78 = arith.constant 0 : i32
    %dma_wait3A_79 = arith.constant 0 : i32
    %dma_wait3A_80 = tpu.memref_slice %arg3[%dma_wait3A_78, %dma_wait3A_79] : memref<1000000x128xf32, #tpu.memory_space<hbm>> -> memref<1000000x128xf32, #tpu.memory_space<hbm>>
    %dma_wait3A_81 = tpu.memref_slice %arg7[%dma_wait3A_72] : memref<2x!tpu.dma_semaphore, #tpu.memory_space<semaphore_mem>> -> memref<1x!tpu.dma_semaphore, #tpu.memory_space<semaphore_mem>>
    %dma_wait3A_82 = tpu.memref_squeeze %dma_wait3A_81 : memref<1x!tpu.dma_semaphore, #tpu.memory_space<semaphore_mem>> -> memref<!tpu.dma_semaphore, #tpu.memory_space<semaphore_mem>>
    tpu.wait_indirect_dma semaphore(%dma_wait3A_82 : memref<!tpu.dma_semaphore, #tpu.memory_space<semaphore_mem>>) src(%dma_wait3A_80 : memref<1000000x128xf32, #tpu.memory_space<hbm>>) dst(%dma_wait3A_75 : memref<128x128xf32, #tpu.memory_space<vmem>>)
    %add3A_83 = arith.constant 128 : i32
    %add3A_84 = arith.addi %mul3A_22, %add3A_83 : i32
    %dma_start3A_85 = arith.constant 128 : i32
    %dma_start3A_86 = arith.constant 0 : i32
    %dma_start3A_87 = tpu.memref_slice %arg6[%dma_start3A_85, %dma_start3A_86] : memref<256x128xf32, #tpu.memory_space<vmem>> -> memref<128x128xf32, #tpu.memory_space<vmem>>
    %dma_start3A_88 = arith.constant 0 : i32
    %dma_start3A_89 = tpu.memref_slice %arg4[%select_n3A, %add3A_84, %dma_start3A_88] : memref<4x2048x128xf32, #tpu.memory_space<hbm>> -> memref<1x128x128xf32, #tpu.memory_space<hbm>>
    %dma_start3A_90 = tpu.memref_squeeze %dma_start3A_89 : memref<1x128x128xf32, #tpu.memory_space<hbm>> -> memref<128x128xf32, #tpu.memory_space<hbm>>
    %dma_start3A_91 = arith.constant 0 : i32
    %dma_start3A_92 = tpu.memref_slice %arg4[%select_n3A, %add3A_84, %dma_start3A_91] : memref<4x2048x128xf32, #tpu.memory_space<hbm>> -> memref<1x128x128xf32, #tpu.memory_space<hbm>>
    %dma_start3A_93 = tpu.memref_squeeze %dma_start3A_92 : memref<1x128x128xf32, #tpu.memory_space<hbm>> -> memref<128x128xf32, #tpu.memory_space<hbm>>
    %dma_start3A_94 = arith.constant 128 : i32
    %dma_start3A_95 = arith.constant 0 : i32
    %dma_start3A_96 = tpu.memref_slice %arg6[%dma_start3A_94, %dma_start3A_95] : memref<256x128xf32, #tpu.memory_space<vmem>> -> memref<128x128xf32, #tpu.memory_space<vmem>>
    tpu.enqueue_dma source(%dma_start3A_96 : memref<128x128xf32, #tpu.memory_space<vmem>>) target(%dma_start3A_93 : memref<128x128xf32, #tpu.memory_space<hbm>>) target_semaphore(%arg8 : memref<!tpu.dma_semaphore, #tpu.memory_space<semaphore_mem>>)
    %dma_wait3A_97 = arith.constant 0 : i32
    %dma_wait3A_98 = arith.constant 0 : i32
    %dma_wait3A_99 = tpu.memref_slice %arg6[%dma_wait3A_97, %dma_wait3A_98] : memref<256x128xf32, #tpu.memory_space<vmem>> -> memref<128x128xf32, #tpu.memory_space<vmem>>
    %dma_wait3A_100 = arith.constant 0 : i32
    %dma_wait3A_101 = tpu.memref_slice %arg4[%select_n3A, %add3A_59, %dma_wait3A_100] : memref<4x2048x128xf32, #tpu.memory_space<hbm>> -> memref<1x128x128xf32, #tpu.memory_space<hbm>>
    %dma_wait3A_102 = tpu.memref_squeeze %dma_wait3A_101 : memref<1x128x128xf32, #tpu.memory_space<hbm>> -> memref<128x128xf32, #tpu.memory_space<hbm>>
    %dma_wait3A_103 = arith.constant 0 : i32
    %dma_wait3A_104 = tpu.memref_slice %arg4[%select_n3A, %add3A_59, %dma_wait3A_103] : memref<4x2048x128xf32, #tpu.memory_space<hbm>> -> memref<1x128x128xf32, #tpu.memory_space<hbm>>
    %dma_wait3A_105 = tpu.memref_squeeze %dma_wait3A_104 : memref<1x128x128xf32, #tpu.memory_space<hbm>> -> memref<128x128xf32, #tpu.memory_space<hbm>>
    %dma_wait3A_106 = arith.constant 0 : i32
    %dma_wait3A_107 = arith.constant 0 : i32
    %dma_wait3A_108 = tpu.memref_slice %arg6[%dma_wait3A_106, %dma_wait3A_107] : memref<256x128xf32, #tpu.memory_space<vmem>> -> memref<128x128xf32, #tpu.memory_space<vmem>>
    tpu.wait_dma2 semaphore(%arg8 : memref<!tpu.dma_semaphore, #tpu.memory_space<semaphore_mem>>) src(%dma_wait3A_108 : memref<128x128xf32, #tpu.memory_space<vmem>>) dst(%dma_wait3A_105 : memref<128x128xf32, #tpu.memory_space<hbm>>)
    %dma_wait3A_109 = arith.constant 128 : i32
    %dma_wait3A_110 = arith.constant 0 : i32
    %dma_wait3A_111 = tpu.memref_slice %arg6[%dma_wait3A_109, %dma_wait3A_110] : memref<256x128xf32, #tpu.memory_space<vmem>> -> memref<128x128xf32, #tpu.memory_space<vmem>>
    %dma_wait3A_112 = arith.constant 0 : i32
    %dma_wait3A_113 = tpu.memref_slice %arg4[%select_n3A, %add3A_84, %dma_wait3A_112] : memref<4x2048x128xf32, #tpu.memory_space<hbm>> -> memref<1x128x128xf32, #tpu.memory_space<hbm>>
    %dma_wait3A_114 = tpu.memref_squeeze %dma_wait3A_113 : memref<1x128x128xf32, #tpu.memory_space<hbm>> -> memref<128x128xf32, #tpu.memory_space<hbm>>
    %dma_wait3A_115 = arith.constant 0 : i32
    %dma_wait3A_116 = tpu.memref_slice %arg4[%select_n3A, %add3A_84, %dma_wait3A_115] : memref<4x2048x128xf32, #tpu.memory_space<hbm>> -> memref<1x128x128xf32, #tpu.memory_space<hbm>>
    %dma_wait3A_117 = tpu.memref_squeeze %dma_wait3A_116 : memref<1x128x128xf32, #tpu.memory_space<hbm>> -> memref<128x128xf32, #tpu.memory_space<hbm>>
    %dma_wait3A_118 = arith.constant 128 : i32
    %dma_wait3A_119 = arith.constant 0 : i32
    %dma_wait3A_120 = tpu.memref_slice %arg6[%dma_wait3A_118, %dma_wait3A_119] : memref<256x128xf32, #tpu.memory_space<vmem>> -> memref<128x128xf32, #tpu.memory_space<vmem>>
    tpu.wait_dma2 semaphore(%arg8 : memref<!tpu.dma_semaphore, #tpu.memory_space<semaphore_mem>>) src(%dma_wait3A_120 : memref<128x128xf32, #tpu.memory_space<vmem>>) dst(%dma_wait3A_117 : memref<128x128xf32, #tpu.memory_space<hbm>>)
    return
  }
}

module attributes {stable_mosaic.version = 14 : i64} {
  func.func @_ln_body(%arg0: i32, %arg1: memref<2x2048x128xf32, #tpu.memory_space<vmem>>, %arg2: memref<1x2048x128xf32, #tpu.memory_space<vmem>>, %arg3: memref<1x2x128xf32, #tpu.memory_space<vmem>>, %arg4: memref<1x1x128xf32, #tpu.memory_space<vmem>>, %arg5: memref<1x1x128xf32, #tpu.memory_space<vmem>>, %arg6: memref<2x2048x128xf32, #tpu.memory_space<vmem>>) attributes {dimension_semantics = [#tpu.dimension_semantics<arbitrary>], iteration_bounds = array<i64: 2>, scalar_prefetch = 0 : i64, scratch_operands = 0 : i64, tpu.core_type = #tpu.core_type<tc>, window_params = [{transform_indices = @transform_0, window_bounds = array<i64: 2, 2048, 128>}, {pipeline_mode = #tpu.pipeline_mode<synchronous>, transform_indices = @transform_1, window_bounds = array<i64: 1, 2048, 128>}, {pipeline_mode = #tpu.pipeline_mode<synchronous>, transform_indices = @transform_2, window_bounds = array<i64: 1, 2, 128>}, {pipeline_mode = #tpu.pipeline_mode<synchronous>, transform_indices = @transform_3, window_bounds = array<i64: 1, 1, 128>}, {pipeline_mode = #tpu.pipeline_mode<synchronous>, transform_indices = @transform_4, window_bounds = array<i64: 1, 1, 128>}, {transform_indices = @transform_5, window_bounds = array<i64: 2, 2048, 128>}]} {
    %get3A = arith.constant 0 : index
    %get3A_0 = arith.constant 0 : index
    %get3A_1 = arith.constant 0 : index
    %get3A_2 = vector.load %arg1[%get3A, %get3A_0, %get3A_1] : memref<2x2048x128xf32, #tpu.memory_space<vmem>>, vector<2x2048x128xf32>
    %get3A_3 = arith.constant 0 : index
    %get3A_4 = arith.constant 0 : index
    %get3A_5 = arith.constant 0 : index
    %get3A_6 = vector.load %arg2[%get3A_3, %get3A_4, %get3A_5] : memref<1x2048x128xf32, #tpu.memory_space<vmem>>, vector<1x2048x128xf32>
    %add3A = vector.broadcast %get3A_6 : vector<1x2048x128xf32> to vector<2x2048x128xf32>
    %add3A_7 = arith.addf %get3A_2, %add3A : vector<2x2048x128xf32>
    %get3A_8 = arith.constant 0 : index
    %get3A_9 = arith.constant 0 : index
    %get3A_10 = arith.constant 0 : index
    %get3A_11 = vector.load %arg3[%get3A_8, %get3A_9, %get3A_10] : memref<1x2x128xf32, #tpu.memory_space<vmem>>, vector<1x1x128xf32>
    %add3A_12 = vector.broadcast %get3A_11 : vector<1x1x128xf32> to vector<2x2048x128xf32>
    %add3A_13 = arith.addf %add3A_7, %add3A_12 : vector<2x2048x128xf32>
    %reduce_sum3A = arith.constant dense<0.000000e+00> : vector<2x2048xf32>
    %reduce_sum3A_14 = vector.multi_reduction <add>, %add3A_13, %reduce_sum3A [2] : vector<2x2048x128xf32> to vector<2x2048xf32>
    %broadcast_in_dim3A = vector.shape_cast %reduce_sum3A_14 : vector<2x2048xf32> to vector<2x2048x1xf32>
    %div3A = arith.constant 1.280000e+02 : f32
    %div3A_15 = vector.broadcast %div3A : f32 to vector<2x2048x1xf32>
    %div3A_16 = arith.divf %broadcast_in_dim3A, %div3A_15 : vector<2x2048x1xf32>
    %sub3A = vector.broadcast %div3A_16 : vector<2x2048x1xf32> to vector<2x2048x128xf32>
    %sub3A_17 = arith.subf %add3A_13, %sub3A : vector<2x2048x128xf32>
    %mul3A = arith.mulf %sub3A_17, %sub3A_17 : vector<2x2048x128xf32>
    %reduce_sum3A_18 = arith.constant dense<0.000000e+00> : vector<2x2048xf32>
    %reduce_sum3A_19 = vector.multi_reduction <add>, %mul3A, %reduce_sum3A_18 [2] : vector<2x2048x128xf32> to vector<2x2048xf32>
    %broadcast_in_dim3A_20 = vector.shape_cast %reduce_sum3A_19 : vector<2x2048xf32> to vector<2x2048x1xf32>
    %div3A_21 = arith.constant 1.280000e+02 : f32
    %div3A_22 = vector.broadcast %div3A_21 : f32 to vector<2x2048x1xf32>
    %div3A_23 = arith.divf %broadcast_in_dim3A_20, %div3A_22 : vector<2x2048x1xf32>
    %add3A_24 = arith.constant 1.000000e-07 : f32
    %add3A_25 = vector.broadcast %add3A_24 : f32 to vector<2x2048x1xf32>
    %add3A_26 = arith.addf %div3A_23, %add3A_25 : vector<2x2048x1xf32>
    %rsqrt3A = math.rsqrt %add3A_26 : vector<2x2048x1xf32>
    %mul3A_27 = vector.broadcast %rsqrt3A : vector<2x2048x1xf32> to vector<2x2048x128xf32>
    %mul3A_28 = arith.mulf %sub3A_17, %mul3A_27 : vector<2x2048x128xf32>
    %get3A_29 = arith.constant 0 : index
    %get3A_30 = arith.constant 0 : index
    %get3A_31 = arith.constant 0 : index
    %get3A_32 = vector.load %arg4[%get3A_29, %get3A_30, %get3A_31] : memref<1x1x128xf32, #tpu.memory_space<vmem>>, vector<1x1x128xf32>
    %mul3A_33 = vector.broadcast %get3A_32 : vector<1x1x128xf32> to vector<2x2048x128xf32>
    %mul3A_34 = arith.mulf %mul3A_28, %mul3A_33 : vector<2x2048x128xf32>
    %get3A_35 = arith.constant 0 : index
    %get3A_36 = arith.constant 0 : index
    %get3A_37 = arith.constant 0 : index
    %get3A_38 = vector.load %arg5[%get3A_35, %get3A_36, %get3A_37] : memref<1x1x128xf32, #tpu.memory_space<vmem>>, vector<1x1x128xf32>
    %add3A_39 = vector.broadcast %get3A_38 : vector<1x1x128xf32> to vector<2x2048x128xf32>
    %add3A_40 = arith.addf %mul3A_34, %add3A_39 : vector<2x2048x128xf32>
    %swap3A = arith.constant 0 : index
    %swap3A_41 = arith.constant 0 : index
    %swap3A_42 = arith.constant 0 : index
    %swap3A_43 = vector.load %arg6[%swap3A, %swap3A_41, %swap3A_42] : memref<2x2048x128xf32, #tpu.memory_space<vmem>>, vector<2x2048x128xf32>
    tpu.vector_store %arg6[%swap3A, %swap3A_41, %swap3A_42], %add3A_40 {strides = array<i32>} : memref<2x2048x128xf32, #tpu.memory_space<vmem>>, vector<2x2048x128xf32>,
    return
  }
  func.func @transform_0(%arg0: i32) -> (i32, i32, i32) {
    %c0_i32 = arith.constant 0 : i32
    %c0_i32_0 = arith.constant 0 : i32
    %c0_i32_1 = arith.constant 0 : i32
    return %arg0, %c0_i32, %c0_i32_0 : i32, i32, i32
  }
  func.func @transform_1(%arg0: i32) -> (i32, i32, i32) {
    %c0_i32 = arith.constant 0 : i32
    %c0_i32_0 = arith.constant 0 : i32
    %c0_i32_1 = arith.constant 0 : i32
    %c0_i32_2 = arith.constant 0 : i32
    return %c0_i32, %c0_i32_0, %c0_i32_1 : i32, i32, i32
  }
  func.func @transform_2(%arg0: i32) -> (i32, i32, i32) {
    %c0_i32 = arith.constant 0 : i32
    %c0_i32_0 = arith.constant 0 : i32
    %c0_i32_1 = arith.constant 0 : i32
    %c0_i32_2 = arith.constant 0 : i32
    return %c0_i32, %c0_i32_0, %c0_i32_1 : i32, i32, i32
  }
  func.func @transform_3(%arg0: i32) -> (i32, i32, i32) {
    %c0_i32 = arith.constant 0 : i32
    %c0_i32_0 = arith.constant 0 : i32
    %c0_i32_1 = arith.constant 0 : i32
    %c0_i32_2 = arith.constant 0 : i32
    return %c0_i32, %c0_i32_0, %c0_i32_1 : i32, i32, i32
  }
  func.func @transform_4(%arg0: i32) -> (i32, i32, i32) {
    %c0_i32 = arith.constant 0 : i32
    %c0_i32_0 = arith.constant 0 : i32
    %c0_i32_1 = arith.constant 0 : i32
    %c0_i32_2 = arith.constant 0 : i32
    return %c0_i32, %c0_i32_0, %c0_i32_1 : i32, i32, i32
  }
  func.func @transform_5(%arg0: i32) -> (i32, i32, i32) {
    %c0_i32 = arith.constant 0 : i32
    %c0_i32_0 = arith.constant 0 : i32
    %c0_i32_1 = arith.constant 0 : i32
    return %arg0, %c0_i32, %c0_i32_0 : i32, i32, i32
  }
}

</mosaic_0001>

<sc_bundles>
// kernel: kernel.4.cloned.1.call-start
scs
__scs_entry_jumppad:
0x0: {  	(pc) =	sbr.rel $0x88, $3  }
0x1: {  	(tag) =	ssettag $0x0;
	lr =	simm.s32 $0x1  }
0x2: {  	[smem:$0x3F9B] =	sst lr;
	_ =	strace $0xD0000000  }
0x3: {  	_ = 	snop  }
0x4: {  	_ = 	snop  }
0x5: {  	_ = 	snop  }
0x6: {  	_ = 	snop  }
0x7: {  	_ = 	snop  }
__scs_overlays_trampoline_lowered:
0x8: {  	[smem:$0x3FAA] =	sst s0  }
0x9: {  	[smem:$0x3FAB] =	sst s1  }
0xa: {  	[smem:$0x3FAC] =	sst s2  }
0xb: {  	[smem:$0x3FAD] =	sst s3  }
0xc: {  	[smem:$0x3FAE] =	sst s4  }
0xd: {  	[smem:$0x3FAF] =	sst s5  }
0xe: {  	[smem:$0x3FB0] =	sst s6  }
0xf: {  	[smem:$0x3FB1] =	sst s7  }
0x10: {  	[smem:$0x3FB2] =	sst s8  }
0x11: {  	[smem:$0x3FB3] =	sst s9;
	s0 =	simm.s32 @!p0 $0x0  }
0x12: {  	s1 =	sld [smem:$0x3F99];
	s0 =	simm.s32 @p0 $0x1  }
0x13: {  	[smem:$0x3FB4] =	sst s0;
	s0 =	simm.s32 @!p1 $0x0  }
0x14: {  	s2 =	sld [smem:$0x3F98];
	s0 =	simm.s32 @p1 $0x1  }
0x15: {  	[smem:$0x3FB5] =	sst s0;
	s0 =	simm.s32 @!p2 $0x0  }
0x16: {  	s3 =	sld [smem:$0x3FDB];
	s0 =	simm.s32 @p2 $0x1  }
0x17: {  	s4 =	simm.s32 $0x1BF5;
	[smem:$0x3FB7] =	sst s0  }
0x18: {  	s0 =	sld [smem:$0x3F9A];
	_ =	swait.ge [sflag:s4], $0x0  }
0x19: {  	s7 =	sld [smem:$0x3F9B]  }
0x1a: {  	s8 =	sadd.s32 $0xFFFFE003, lr  }
0x1b: {  	s9 =	sadd.s32 $0xFFFFFEF7, lr;
	s5 =	simm.s32 $0xFFFFFFFF;
	p2 =	slt.u32 s8, $0xFFFFF086  }
0x1c: {  	p1 =	slt.u32 s9, $0xF7A;
	s5 =	simm.s32 @!p2 $0x0  }
0x1d: {  	s5 =	simm.s32 @p1 $0x1;
	p0 =	seq.s32 s7, s2  }
0x1e: {  	s7 =	smul.u32 @!p0 $0xF7A, s2;
	p2 =	seq.s32 @!p0 s5, $0x0  }
0x1f: {  	s9 =	smul.u32 $0xF7A, s1;
	s8 =	simm.s32 @!p0 $0x1BF5;
	p2 =	por !p2, p0  }
0x20: {  	[sflag:s8] =	ssyncset.s32 @!p0 $0xFFFFF086;
	s6 =	sadd.s32 @!p0 s3, s7;
	s7 =	simm.s32 @!p0 $0x108  }
0x21: {  	s3 =	sadd.s32 s3, s9;
	s6 =	sadd.s32 @!p0 $0x88, s6;
	s7 =	simm.s32 @p2 $0x1082  }
0x22: {  	[simem:s7], [sflag:s8] =	dma.local @!p0 [hbm:s6], $0xF7A  }
0x23: {  	s9 =	sor.u32 $0xD0000000, s2;
	s6 =	simm.s32 $0x108;
	_ =	swait.ge @!p0 [sflag:s8], $0x0  }
0x24: {  	s3 =	sadd.s32 $0x88, s3;
	s6 =	simm.s32 @!p1 $0x1082;
	[sflag:s4] =	ssyncset.s32 $0xFFFFF086  }
0x25: {  	[simem:s6], [sflag:s4] =	dma.local [hbm:s3], $0xF7A  }
0x26: {  	[smem:$0x3F9B] =	sst s1;
	(tag) =	ssettag s2;
	_ =	strace s9  }
0x27: {  	s1 =	sld [smem:$0x3FAB]  }
0x28: {  	s2 =	sld [smem:$0x3FAC]  }
0x29: {  	s4 =	sld [smem:$0x3FAE]  }
0x2a: {  	p0 =	seq.s32 s5, $0x0;
	s5 =	sld [smem:$0x3FAF]  }
0x2b: {  	s6 =	sld [smem:$0x3FB0]  }
0x2c: {  	s7 =	sld [smem:$0x3FB1]  }
0x2d: {  	s3 =	simm.s32 $0x108;
	s8 =	sld [smem:$0x3FB2]  }
0x2e: {  	s3 =	simm.s32 @!p0 $0x1082;
	s9 =	sld [smem:$0x3FB3]  }
0x2f: {  	lr =	sadd.s32 s0, s3;
	s0 =	sld [smem:$0x3FAA]  }
0x30: {  	s3 =	sld [smem:$0x3FAD]  }
0x31: {  	[smem:$0x3FB6] =	sst s10  }
0x32: {  	s10 =	sld [smem:$0x3FB4];
	_ =	sdelay $0x3  }
0x33: {  	p0 =	seq.s32 s10, $0x1;
	s10 =	sld [smem:$0x3FB6];
	_ =	sdelay $0x3  }
0x34: {  	[smem:$0x3FB6] =	sst s10  }
0x35: {  	s10 =	sld [smem:$0x3FB5];
	_ =	sdelay $0x3  }
0x36: {  	p1 =	seq.s32 s10, $0x1;
	s10 =	sld [smem:$0x3FB6];
	_ =	sdelay $0x3  }
0x37: {  	[smem:$0x3FB6] =	sst s10  }
0x38: {  	s10 =	sld [smem:$0x3FB7]  }
0x39: {  	_ = 	snop;
	(pc) =	sbr.ind lr, $3  }
0x3a: {  	_ = 	snop  }
0x3b: {  	_ = 	snop  }
0x3c: {  	p2 =	seq.s32 s10, $0x1;
	s10 =	sld [smem:$0x3FB6]  }
0x3d: {  	_ =	shalt  }
0x3e: {  	_ =	shalt  }
0x3f: {  	_ =	shalt  }
0x40: {  	_ =	shalt  }
0x41: {  	_ =	shalt  }
0x42: {  	_ =	shalt  }
0x43: {  	_ =	shalt  }
0x44: {  	_ =	shalt  }
0x45: {  	_ =	shalt  }
0x46: {  	_ =	shalt  }
0x47: {  	_ =	shalt  }
0x48: {  	_ =	shalt  }
0x49: {  	_ =	shalt  }
0x4a: {  	_ =	shalt  }
0x4b: {  	_ =	shalt  }
0x4c: {  	_ =	shalt  }
0x4d: {  	_ =	shalt  }
0x4e: {  	_ =	shalt  }
0x4f: {  	_ =	shalt  }
0x50: {  	_ =	shalt  }
0x51: {  	_ =	shalt  }
0x52: {  	_ =	shalt  }
0x53: {  	_ =	shalt  }
0x54: {  	_ =	shalt  }
0x55: {  	_ =	shalt  }
0x56: {  	_ =	shalt  }
0x57: {  	_ =	shalt  }
0x58: {  	_ =	shalt  }
0x59: {  	_ =	shalt  }
0x5a: {  	_ =	shalt  }
0x5b: {  	_ =	shalt  }
0x5c: {  	_ =	shalt  }
0x5d: {  	_ =	shalt  }
0x5e: {  	_ =	shalt  }
0x5f: {  	_ =	shalt  }
0x60: {  	_ =	shalt  }
0x61: {  	_ =	shalt  }
0x62: {  	_ =	shalt  }
0x63: {  	_ =	shalt  }
0x64: {  	_ =	shalt  }
0x65: {  	_ =	shalt  }
0x66: {  	_ =	shalt  }
0x67: {  	_ =	shalt  }
0x68: {  	_ =	shalt  }
0x69: {  	_ =	shalt  }
0x6a: {  	_ =	shalt  }
0x6b: {  	_ =	shalt  }
0x6c: {  	_ =	shalt  }
0x6d: {  	_ =	shalt  }
0x6e: {  	_ =	shalt  }
0x6f: {  	_ =	shalt  }
0x70: {  	_ =	shalt  }
0x71: {  	_ =	shalt  }
0x72: {  	_ =	shalt  }
0x73: {  	_ =	shalt  }
0x74: {  	_ =	shalt  }
0x75: {  	_ =	shalt  }
0x76: {  	_ =	shalt  }
0x77: {  	_ =	shalt  }
0x78: {  	_ =	shalt  }
0x79: {  	_ =	shalt  }
0x7a: {  	_ =	shalt  }
0x7b: {  	_ =	shalt  }
0x7c: {  	_ =	shalt  }
0x7d: {  	_ =	shalt  }
0x7e: {  	_ =	shalt  }
0x7f: {  	_ =	shalt  }
0x80: {  	_ =	shalt  }
0x81: {  	_ =	shalt  }
0x82: {  	_ =	shalt  }
0x83: {  	_ =	shalt  }
0x84: {  	_ =	shalt  }
0x85: {  	_ =	shalt  }
0x86: {  	_ =	shalt  }
0x87: {  	_ =	shalt  }
.Lfunc_end0:
.L_simem_size_0:
called_computation_lowered:
.L_overlay_start_0:
0x88: {  	s2 =	sld [smem:$0x3FD9]  }
0x89: {  	s3 =	sld [smem:$0x3FFE];
	_ =	sdelay $0x1  }
0x8a: {  	s1 =	srdreg.scid  }
0x8b: {  	s0 =	sand.u32 $0x1, s1  }
0x8c: {  	s18 =	sshll.u32 s0, $0xA;
	s2 =	sadd.s32 s3, s2  }
0x8d: {  	s2 =	sadd.s32 s2, s18  }
0x8e: {  	[smem:$0x3FC2] =	sst s2  }
0x8f: {  	_ = 	snop  }
0x90: {  	s2 =	sld [smem:$0x3FC9]  }
0x91: {  	s19 =	sld [smem:$0x3FC8]  }
0x92: {  	s4 =	sld [smem:$0x3FD0];
	(tm) =	ssettm $0x1  }
0x93: {  	s5 =	sld [smem:$0x3FFB];
	_ =	sdelay $0x3  }
0x94: {  	_ =	strace s5  }
0x95: {  	s5 =	sld [smem:$0x3FFC];
	_ =	sdelay $0x3  }
0x96: {  	_ =	strace s5  }
0x97: {  	s5 =	sld [smem:$0x3FFD];
	_ =	sdelay $0x3  }
0x98: {  	_ =	strace s5  }
0x99: {  	_ =	strace $0x8FFFFFFF  }
0x9a: {  	s20 =	sld [smem:$0x3FDB];
	_ =	sdelay $0x1  }
0x9b: {  	s6 =	simm.s32 $_scs_section_size  }
0x9c: {  	s7 =	simm.s32 $_size__tile_overlayer_lowered;
	s8 =	simm.s32 $_tile_overlayer_lowered  }
0x9d: {  	s23 =	simm.s32 $0x1BFF;
	s22 =	sshll.u32 s8, $0x1;
	s5 =	sadd.s32 s6, s20  }
0x9e: {  	s9 =	simm.s32 $0x0;
	s21 =	sshll.u32 s7, $0x1;
	s7 =	sadd.s32 s22, s5  }
0x9f: {  	[timem:s9], [sflag:s23] =	dma.local [hbm:s7], s21  }
0xa0: {  	_ =	swait.ge [sflag:s23], s21  }
0xa1: {  	s6 =	ssub.s32 $0x0, s21;
	[sflag:s23] =	ssyncset.done $0x0  }
0xa2: {  	[sflag:s23] =	ssyncadd.s32 s6;
	_ =	sdelay $0x1  }
0xa3: {  	s24 =	simm.s32 $0x1B8B  }
0xa4: {  	_ =	swait.ge [sflag:s24], $0x1  }
0xa5: {  	[sflag:s24] =	ssyncset.done $0x0  }
0xa6: {  	s25 =	simm.s32 $0x1B8E;
	[sflag:s24] =	ssyncadd.s32 $0xFFFFFFFF  }
0xa7: {  	s26 =	simm.s32 $execute0_lowered;
	[smem:$0x3FD2] =	sst s25  }
0xa8: {  	s6 =	sshll.u32 s26, $0x1;
	_ =	strace $0x80000046;
	[dreg:$0x1] =	wrdreg $0xFFFFFFFF  }
0xa9: {  	s28 =	simm.s32 $_size_execute0_lowered;
	s5 =	sadd.s32 s5, s6;
	[dreg:$0x0] =	wrdreg $0x0  }
0xaa: {  	s6 =	sshll.u32 s28, $0x1;
	[dreg:$0x2] =	wrdreg s5  }
0xab: {  	[dreg:$0x3] =	wrdreg s6  }
0xac: {  	[dreg:$0x4] =	wrdreg $0xC0  }
0xad: {  	_ =	task [dreg:s9], $0x5FFFF  }
0xae: {  	[dreg:$0x1] =	wrdreg $0xFFFFFFFF  }
0xaf: {  	[dreg:$0x0] =	wrdreg $0x60  }
0xb0: {  	[dreg:$0x2] =	wrdreg s2  }
0xb1: {  	[dreg:$0x3] =	wrdreg s19  }
0xb2: {  	[dreg:$0x4] =	wrdreg s4  }
0xb3: {  	[dreg:$0x5] =	wrdreg $0x9  }
0xb4: {  	_ =	task.clear_ibuf [dreg:s9], $0x6FFFF;
	_ =	strace $0x90000046  }
0xb5: {  	s29 =	simm.s32 $0x9;
	_ =	strace $0x80000048  }
0xb6: {  	_ =	swait.ge [sflag:s29], $0x1  }
0xb7: {  	[sflag:s29] =	ssyncadd.s32 $0xFFFFFFFF  }
0xb8: {  	_ =	strace $0x90000048  }
0xb9: {  	_ =	sfence  }
0xba: {  	s30 =	sld [smem:$0x0];
	_ =	sdelay $0x2  }
0xbb: {  	s31 =	sshll.u32 s1, $0xD;
	s1 =	sshrl.u32 s1, $0x2  }
0xbc: {  	s3 =	sand.u32 $0x4000, s31;
	s1 =	sadd.s32 s1, s30  }
0xbd: {  	s0 =	sor.u32 s3, s0;
	s1 =	sshll.u32 s1, $0x11  }
0xbe: {  	s0 =	sor.u32 s1, s0  }
0xbf: {  	s0 =	sadd.s32 $0x8F2B, s0  }
0xc0: {  	[sflag:s0] =	ssyncadd.remote.s32 $0x1  }
0xc1: {  	_ =	sfence.sel $0xFFFF  }
0xc2: {  	[dreg:$0x0] =	wrdreg $0xFFFFFFFF;
	(pc) =	sbr.abs _section_cstart, $3  }
0xc3: {  	[dreg:$0x1] =	wrdreg $0xFFFFFFFF  }
0xc4: {  	_ =	task.clear_ibuf [dreg:s9], $0x2FFFF;
	_ =	strace $0x9FFFFFFF  }
0xc5: {  	(tm) =	ssettm $0x7FFFFFFF  }
tec
execute0_lowered:
.L_overlay_start_1:
0x0: {  	(tag) =	ssettag $0x1  }
0x1: {  	s8 =	rddreg [dreg:$0x0];
	s0 =	stileid.u32  }
0x2: {  	s2 =	rddreg [dreg:$0x1];
	s1 =	srdreg.scid;
	s3 =	sshll.u32 s0, $0x1  }
0x3: {  	s13 =	rddreg [dreg:$0x2];
	s14 =	sand.u32 $0x1, s1;
	s3 =	sand.u32 $0x6, s3  }
0x4: {  	s1 =	rddreg [dreg:$0x3];
	s9 =	sshrl.u32 s0, $0x2;
	s10 =	sor.u32 s14, s3  }
0x5: {  	s6 =	sshll.u32 s9, $0x7;
	s3 =	simm.s32 $0x0;
	s4 =	sshll.u32 s10, $0xA  }
0x6: {  	[smem:$0x7FF] =	sst s3;
	s4 =	sor.u32 s6, s4  }
0x7: {  	s5 =	sshll.u32 s10, $0x8;
	_ =	strace $0x80000047;
	s4 =	sshrl.u32 s4, $0x3  }
0x8: {  	s12 =	sor.u32 $0x80, s5;
	s5 =	simm.s32 $0x4;
	s4 =	sadd.s32 s8, s4  }
0x9: {  	[tilespmem:s3], [sflag:$0x4] =	stream.linear.gather [hbm4b:s4+s3], $0x80, $0x38;
	[tilespmem:$0x8100] =	vst v63  }
0xa: {  	s7 =	sshll.u32 s12, $0x2;
	_ =	swait.ge [sflag:s5], $0x80  }
0xb: {  	s6 =	sor.u32 s6, s7;
	s7 =	simm.s32 $0x100;
	[sflag:s5] =	ssyncset.done $0x0  }
0xc: {  	s11 =	sshrl.u32 s6, $0x3;
	s6 =	simm.s32 $0x80;
	[sflag:s5] =	ssyncadd.s32 $0xFFFFFF80  }
0xd: {  	[tilespmem:s7], [sflag:$0x1] =	stream.indirect.gather [hbm4b:s2+s6], $0x80, s3, s6, $0xb8;
	[tilespmem:$0x8100] =	vst v63  }
0xe: {  	s8 =	sadd.s32 s8, s11  }
0xf: {  	[tilespmem:s6], [sflag:$0x4] =	stream.linear.gather [hbm4b:s8+s3], $0x80, $0x38;
	[tilespmem:$0x8100] =	vst v63  }
0x10: {  	s15 =	sshll.u32 s9, $0x12;
	s29 =	ssub.s32 $0x2, s14;
	_ =	swait.ge [sflag:s5], $0x80  }
0x11: {  	s9 =	simm.s32 $0x4100;
	s31 =	sshrl.u32 s29, $0x1;
	[sflag:s5] =	ssyncset.done $0x0  }
0x12: {  	s26 =	sshll.u32 s10, $0xF;
	s10 =	simm.s32 $0x1;
	[sflag:s5] =	ssyncadd.s32 $0xFFFFFF80  }
0x13: {  	[tilespmem:s9], [sflag:$0x2] =	stream.indirect.gather [hbm4b:s2+s6], $0x80, s6, s6, $0xb8;
	[tilespmem:$0x8100] =	vst v63  }
0x14: {  	s28 =	sor.u32 s15, s26;
	s16 =	sshll.u32 s12, $0x7;
	_ =	swait.ge [sflag:s10], $0x4000  }
0x15: {  	s12 =	simm.s32 $0x2;
	s11 =	sshrl.u32 s28, $0x3;
	[sflag:s10] =	ssyncset.done $0x0  }
0x16: {  	s15 =	sor.u32 s15, s16;
	s11 =	sadd.s32 s13, s11;
	[sflag:s10] =	ssyncadd.s32 $0xFFFFC000  }
0x17: {  	[hbm4b:s11+s3] =	stream.linear.scatter [tilespmem:s7], [sflag:$0x3], $0x4000, $0x38;
	[tilespmem:$0x8100] =	vst v63  }
0x18: {  	s30 =	sshrl.u32 s15, $0x3;
	s15 =	ssub.s32 s29, s31;
	_ =	swait.ge [sflag:s12], $0x4000  }
0x19: {  	s14 =	sadd.s32 s13, s30;
	s15 =	smax.u32 s15, $0x1;
	[sflag:s12] =	ssyncset.done $0x0  }
0x1a: {  	s13 =	simm.s32 $0x3;
	p0 =	sne.s32 s15, $0x1;
	[sflag:s12] =	ssyncadd.s32 $0xFFFFC000  }
0x1b: {  	[hbm4b:s14+s3] =	stream.linear.scatter [tilespmem:s9], [sflag:$0x3], $0x4000, $0x38;
	[tilespmem:$0x8100] =	vst v63  }
.Ltmp0:
0x1c: {  	_ =	swait.ge [sflag:s13], $0x4000;
	(pc) =	sbr.rel @!p0 .LBB2_2-.Ltmp0, $4  }
0x1d: {  	[sflag:s13] =	ssyncset.done $0x0  }
0x1e: {  	[sflag:s13] =	ssyncadd.s32 $0xFFFFC000  }
0x1f: {  	_ =	swait.ge [sflag:s13], $0x4000  }
0x20: {  	s15 =	sadd.s32 $0xFFFFFFFF, s15;
	[sflag:s13] =	ssyncset.done $0x0  }
.LBB2_1:
0x21: {  	p0 =	sne.s32 s15, $0x1;
	s15 =	sadd.s32 $0xFFFFFFFF, s15;
	[sflag:s13] =	ssyncadd.s32 $0xFFFFC000  }
0x22: {  	[tilespmem:s3], [sflag:$0x4] =	stream.linear.gather [hbm4b:s4+s3], $0x80, $0x38;
	[tilespmem:$0x8100] =	vst v63  }
0x23: {  	_ =	swait.ge [sflag:s5], $0x80  }
0x24: {  	[sflag:s5] =	ssyncset.done $0x0  }
0x25: {  	[sflag:s5] =	ssyncadd.s32 $0xFFFFFF80  }
0x26: {  	[tilespmem:s7], [sflag:$0x1] =	stream.indirect.gather [hbm4b:s2+s6], $0x80, s3, s6, $0xb8;
	[tilespmem:$0x8100] =	vst v63  }
0x27: {  	_ = 	snop  }
0x28: {  	[tilespmem:s6], [sflag:$0x4] =	stream.linear.gather [hbm4b:s8+s3], $0x80, $0x38;
	[tilespmem:$0x8100] =	vst v63  }
0x29: {  	_ =	swait.ge [sflag:s5], $0x80  }
0x2a: {  	[sflag:s5] =	ssyncset.done $0x0  }
0x2b: {  	[sflag:s5] =	ssyncadd.s32 $0xFFFFFF80  }
0x2c: {  	[tilespmem:s9], [sflag:$0x2] =	stream.indirect.gather [hbm4b:s2+s6], $0x80, s6, s6, $0xb8;
	[tilespmem:$0x8100] =	vst v63  }
0x2d: {  	_ =	swait.ge [sflag:s10], $0x4000  }
0x2e: {  	[sflag:s10] =	ssyncset.done $0x0  }
0x2f: {  	[sflag:s10] =	ssyncadd.s32 $0xFFFFC000  }
0x30: {  	[hbm4b:s11+s3] =	stream.linear.scatter [tilespmem:s7], [sflag:$0x3], $0x4000, $0x38;
	[tilespmem:$0x8100] =	vst v63  }
0x31: {  	_ =	swait.ge [sflag:s12], $0x4000  }
0x32: {  	[sflag:s12] =	ssyncset.done $0x0  }
0x33: {  	[sflag:s12] =	ssyncadd.s32 $0xFFFFC000  }
0x34: {  	[hbm4b:s14+s3] =	stream.linear.scatter [tilespmem:s9], [sflag:$0x3], $0x4000, $0x38;
	[tilespmem:$0x8100] =	vst v63  }
.Ltmp1:
0x35: {  	_ =	swait.ge [sflag:s13], $0x4000;
	(pc) =	sbr.rel @p0 .LBB2_1-.Ltmp1, $4  }
0x36: {  	[sflag:s13] =	ssyncset.done $0x0  }
0x37: {  	[sflag:s13] =	ssyncadd.s32 $0xFFFFC000  }
0x38: {  	_ =	swait.ge [sflag:s13], $0x4000  }
0x39: {  	[sflag:s13] =	ssyncset.done $0x0  }
.LBB2_2:
0x3a: {  	[sflag:s13] =	ssyncadd.s32 $0xFFFFC000  }
0x3b: {  	_ =	sfence.sel $0x180000  }
0x3c: {  	[bflag:$0x0] =	sbarrier.arrive $0xFFFF  }
0x3d: {  	p0 =	sne.s32 s0, $0x0;
	_ =	strace $0x90000047  }
0x3e: {  	s0 =	sadd.s32 @!p0 $0x100000, s1;
	[bflag:$0x2] =	sbarrier.arrive $0xFFFF  }
0x3f: {  	[sflag:s0] =	ssyncadd.tile.s32 @!p0 $0x1;
	_ =	shalt  }
.Lfunc_end2:
_tile_overlayer_lowered:
.L_overlay_start_2:
0x40: {  	(tag) =	ssettag $0x2  }
0x41: {  	s0 =	rddreg [dreg:$0x0];
	s2 =	stileid.u32  }
0x42: {  	s1 =	rddreg [dreg:$0x1];
	p0 =	sne.s32 s2, $0x0  }
0x43: {  	s3 =	rddreg [dreg:$0x2];
	[bflag:$0x3] =	sbarrier.arrive $0xFFFF;
	s2 =	simm.s32 @!p0 $0x1C04  }
0x44: {  	[timem:s3], [sflag:s2] =	dma.local @!p0 [hbm:s0], s1  }
0x45: {  	s0 =	simm.s32 @!p0 $0x4  }
0x46: {  	_ =	swait.ge @!p0 [sflag:s0], s1  }
0x47: {  	s1 =	ssub.s32 @!p0 $0x0, s1;
	[sflag:s0] =	ssyncset.done @!p0 $0x0  }
0x48: {  	[sflag:s0] =	ssyncadd.s32 @!p0 s1  }
0x49: {  	[bflag:$0x3] =	sbarrier.arrive $0xFFFF  }
0x4a: {  	_ =	shalt  }

</sc_bundles>
